<compile_context>
chip_gen: v7x
topology: tpu7x:2x2x1
jax: 0.10.2.dev20260603
libtpu: 0.0.44.dev20260713+nightly
codegen_flags: <defaults>
</compile_context>

<pallas_src>
import functools

import jax
import jax.numpy as jnp
from jax import lax
from jax.experimental import pallas as pl
from jax.experimental.pallas import tpu as pltpu
from jax.experimental.pallas import tpu_sc as plsc

_B = 16384
_F = 26
_NW = 32
_RPW = _B // _NW
_CHUNK = _F * _RPW
_FH = _F // 2
_IPH = _FH * _RPW


def _make_kernel():
    mesh = plsc.VectorSubcoreMesh(core_axis_name="c", subcore_axis_name="s")

    @functools.partial(
        pl.kernel,
        mesh=mesh,
        out_type=jax.ShapeDtypeStruct((_B,), jnp.float32),
        compiler_params=pltpu.CompilerParams(needs_layout_passes=False),
        scratch_types=[
            pltpu.VMEM((_CHUNK,), jnp.int32),
            pltpu.VMEM((_CHUNK,), jnp.float32),
            pltpu.VMEM((_RPW,), jnp.float32),
            pltpu.SemaphoreType.DMA,
            pltpu.SemaphoreType.DMA,
            pltpu.SemaphoreType.DMA,
        ],
    )
    def k(idx_hbm, w_hbm, out_hbm, idx_v, vals_v, out_v, si, s0, s1):
        wid = lax.axis_index("s") * 2 + lax.axis_index("c")
        w_flat = w_hbm.at[0]
        tile_idx = idx_hbm.at[wid]
        pltpu.async_copy(
            tile_idx.at[pl.ds(0, _IPH)], idx_v.at[pl.ds(0, _IPH)], si
        ).wait()
        g0 = pltpu.async_copy(
            w_flat.at[idx_v.at[pl.ds(0, _IPH)]], vals_v.at[pl.ds(0, _IPH)], s0
        )
        pltpu.async_copy(
            tile_idx.at[pl.ds(_IPH, _IPH)], idx_v.at[pl.ds(_IPH, _IPH)], si
        ).wait()
        g1 = pltpu.async_copy(
            w_flat.at[idx_v.at[pl.ds(_IPH, _IPH)]],
            vals_v.at[pl.ds(_IPH, _IPH)],
            s1,
        )
        g0.wait()

        @plsc.parallel_loop(0, _RPW, 16, unroll=2)
        def red0(o):
            acc = vals_v[pl.ds(o, 16)]
            for f in range(1, _FH):
                acc = acc + vals_v[pl.ds(f * _RPW + o, 16)]
            out_v[pl.ds(o, 16)] = acc

        g1.wait()

        @plsc.parallel_loop(0, _RPW, 16, unroll=2)
        def red1(o):
            acc = out_v[pl.ds(o, 16)]
            for f in range(_FH):
                acc = acc + vals_v[pl.ds(_IPH + f * _RPW + o, 16)]
            out_v[pl.ds(o, 16)] = acc
        pltpu.sync_copy(out_v, out_hbm.at[pl.ds(wid * _RPW, _RPW)])

    return k


_sc_kernel = _make_kernel()


def kernel(inputs, w):
    idx = inputs.astype(jnp.int32).reshape(_NW, _RPW, _F).transpose(0, 2, 1)
    out = _sc_kernel(idx.reshape(_NW, _CHUNK), w.T)
    return out.reshape(_B, 1)

# --- scband reference (transcript-rebuilt; emitter-appended) ---
"""Pipeline reference for scband-linear-31593779430065 (READ-ONLY COPY).

The authoritative reference and input builder live on the scoring server;
editing this copy changes nothing except your own understanding.
"""

import jax, jax.numpy as jnp
import numpy as np

FEATURE_LENGTH = 1000000
BATCH = 16384
N_FIELDS = 26

def setup_inputs(seed: int = 0) -> dict:
    key = jax.random.key(seed)
    k_idx, k_w = jax.random.split(key)
    inputs = jax.random.randint(k_idx, (BATCH, N_FIELDS), 0, FEATURE_LENGTH, dtype=jnp.int64 if jax.config.jax_enable_x64 else jnp.int32)
    # learned parameter w: (feature_length, 1), glorot-uniform-like init as Keras default
    limit = np.sqrt(6.0 / (FEATURE_LENGTH + 1))
    w = jax.random.uniform(k_w, (FEATURE_LENGTH, 1), minval=-limit, maxval=limit, dtype=jnp.float32)
    return {"inputs": inputs, "w": w}

def reference(inputs, w):
    # tf.nn.embedding_lookup(w, inputs) -> [B, n_fields, 1]; reduce_sum over axis=1 -> [B, 1]
    gathered = jnp.take(w, inputs, axis=0)
    result = jnp.sum(gathered, axis=1)
    return result

if __name__ == "__main__":
    import jax
    _d = setup_inputs()
    print(jax.jit(kernel)(*tuple(_d.values())))

</pallas_src>

<mosaic_0001>
#map = affine_map<(d0, d1) -> (0, 0)>
#map1 = affine_map<(d0, d1) -> (0)>
module attributes {stable_mosaic.version = 14 : i64} {
  func.func @k(%arg0: i32, %arg1: i32, %arg2: memref<32x13312xi32, #tpu.memory_space<hbm>>, %arg3: memref<1x1000000xf32, #tpu.memory_space<hbm>>, %arg4: memref<16384xf32, #tpu.memory_space<hbm>>, %arg5: memref<13312xi32, #tpu.memory_space<vmem>>, %arg6: memref<13312xf32, #tpu.memory_space<vmem>>, %arg7: memref<512xf32, #tpu.memory_space<vmem>>, %arg8: memref<!tpu.dma_semaphore, #tpu.memory_space<semaphore_mem>>, %arg9: memref<!tpu.dma_semaphore, #tpu.memory_space<semaphore_mem>>, %arg10: memref<!tpu.dma_semaphore, #tpu.memory_space<semaphore_mem>>) attributes {dimension_semantics = [#tpu.dimension_semantics<core_parallel>, #tpu.dimension_semantics<subcore_parallel>], iteration_bounds = array<i64: 2, 16>, scalar_prefetch = 0 : i64, scratch_operands = 6 : i64, tpu.core_type = #tpu.core_type<sc_vector_subcore>, window_params = [{transform_indices = #map}, {transform_indices = #map}, {transform_indices = #map1}]} {
    %mul3A = arith.constant 2 : i32
    %mul3A_0 = arith.muli %arg1, %mul3A : i32
    %add3A = arith.addi %mul3A_0, %arg0 : i32
    %dma_start3A = arith.constant 0 : i32
    %dma_start3A_1 = tpu.memref_slice %arg5[%dma_start3A] : memref<13312xi32, #tpu.memory_space<vmem>> -> memref<6656xi32, #tpu.memory_space<vmem>>
    %dma_start3A_2 = arith.constant 0 : i32
    %dma_start3A_3 = tpu.memref_slice %arg2[%add3A, %dma_start3A_2] : memref<32x13312xi32, #tpu.memory_space<hbm>> -> memref<1x13312xi32, #tpu.memory_space<hbm>>
    %dma_start3A_4 = tpu.memref_squeeze %dma_start3A_3 : memref<1x13312xi32, #tpu.memory_space<hbm>> -> memref<13312xi32, #tpu.memory_space<hbm>>
    %dma_start3A_5 = arith.constant 0 : i32
    %dma_start3A_6 = tpu.memref_slice %dma_start3A_4[%dma_start3A_5] : memref<13312xi32, #tpu.memory_space<hbm>> -> memref<6656xi32, #tpu.memory_space<hbm>>
    %dma_start3A_7 = arith.constant 0 : i32
    %dma_start3A_8 = tpu.memref_slice %arg5[%dma_start3A_7] : memref<13312xi32, #tpu.memory_space<vmem>> -> memref<6656xi32, #tpu.memory_space<vmem>>
    %dma_start3A_9 = arith.constant 0 : i32
    %dma_start3A_10 = tpu.memref_slice %arg2[%add3A, %dma_start3A_9] : memref<32x13312xi32, #tpu.memory_space<hbm>> -> memref<1x13312xi32, #tpu.memory_space<hbm>>
    %dma_start3A_11 = tpu.memref_squeeze %dma_start3A_10 : memref<1x13312xi32, #tpu.memory_space<hbm>> -> memref<13312xi32, #tpu.memory_space<hbm>>
    %dma_start3A_12 = arith.constant 0 : i32
    %dma_start3A_13 = tpu.memref_slice %dma_start3A_11[%dma_start3A_12] : memref<13312xi32, #tpu.memory_space<hbm>> -> memref<6656xi32, #tpu.memory_space<hbm>>
    tpu.enqueue_dma source(%dma_start3A_13 : memref<6656xi32, #tpu.memory_space<hbm>>) target(%dma_start3A_8 : memref<6656xi32, #tpu.memory_space<vmem>>) target_semaphore(%arg8 : memref<!tpu.dma_semaphore, #tpu.memory_space<semaphore_mem>>)
    %dma_wait3A = arith.constant 0 : i32
    %dma_wait3A_14 = tpu.memref_slice %arg5[%dma_wait3A] : memref<13312xi32, #tpu.memory_space<vmem>> -> memref<6656xi32, #tpu.memory_space<vmem>>
    %dma_wait3A_15 = arith.constant 0 : i32
    %dma_wait3A_16 = tpu.memref_slice %arg2[%add3A, %dma_wait3A_15] : memref<32x13312xi32, #tpu.memory_space<hbm>> -> memref<1x13312xi32, #tpu.memory_space<hbm>>
    %dma_wait3A_17 = tpu.memref_squeeze %dma_wait3A_16 : memref<1x13312xi32, #tpu.memory_space<hbm>> -> memref<13312xi32, #tpu.memory_space<hbm>>
    %dma_wait3A_18 = arith.constant 0 : i32
    %dma_wait3A_19 = tpu.memref_slice %dma_wait3A_17[%dma_wait3A_18] : memref<13312xi32, #tpu.memory_space<hbm>> -> memref<6656xi32, #tpu.memory_space<hbm>>
    %dma_wait3A_20 = arith.constant 0 : i32
    %dma_wait3A_21 = tpu.memref_slice %arg5[%dma_wait3A_20] : memref<13312xi32, #tpu.memory_space<vmem>> -> memref<6656xi32, #tpu.memory_space<vmem>>
    %dma_wait3A_22 = arith.constant 0 : i32
    %dma_wait3A_23 = tpu.memref_slice %arg2[%add3A, %dma_wait3A_22] : memref<32x13312xi32, #tpu.memory_space<hbm>> -> memref<1x13312xi32, #tpu.memory_space<hbm>>
    %dma_wait3A_24 = tpu.memref_squeeze %dma_wait3A_23 : memref<1x13312xi32, #tpu.memory_space<hbm>> -> memref<13312xi32, #tpu.memory_space<hbm>>
    %dma_wait3A_25 = arith.constant 0 : i32
    %dma_wait3A_26 = tpu.memref_slice %dma_wait3A_24[%dma_wait3A_25] : memref<13312xi32, #tpu.memory_space<hbm>> -> memref<6656xi32, #tpu.memory_space<hbm>>
    tpu.wait_dma2 semaphore(%arg8 : memref<!tpu.dma_semaphore, #tpu.memory_space<semaphore_mem>>) src(%dma_wait3A_26 : memref<6656xi32, #tpu.memory_space<hbm>>) dst(%dma_wait3A_21 : memref<6656xi32, #tpu.memory_space<vmem>>)
    %dma_start3A_27 = arith.constant 0 : i32
    %dma_start3A_28 = arith.constant 0 : i32
    %dma_start3A_29 = tpu.memref_slice %arg6[%dma_start3A_28] : memref<13312xf32, #tpu.memory_space<vmem>> -> memref<6656xf32, #tpu.memory_space<vmem>>
    %dma_start3A_30 = arith.constant 0 : i32
    %dma_start3A_31 = tpu.memref_slice %arg5[%dma_start3A_30] : memref<13312xi32, #tpu.memory_space<vmem>> -> memref<6656xi32, #tpu.memory_space<vmem>>
    %dma_start3A_32 = arith.constant 0 : i32
    %dma_start3A_33 = tpu.memref_slice %arg3[%dma_start3A_27, %dma_start3A_32] : memref<1x1000000xf32, #tpu.memory_space<hbm>> -> memref<1x1000000xf32, #tpu.memory_space<hbm>>
    %dma_start3A_34 = tpu.memref_squeeze %dma_start3A_33 : memref<1x1000000xf32, #tpu.memory_space<hbm>> -> memref<1000000xf32, #tpu.memory_space<hbm>>
    %dma_start3A_35 = arith.constant 0 : i32
    %dma_start3A_36 = tpu.memref_slice %dma_start3A_34[%dma_start3A_35] : memref<1000000xf32, #tpu.memory_space<hbm>> -> memref<1000000xf32, #tpu.memory_space<hbm>>
    tpu.enqueue_indirect_dma source(%dma_start3A_36 : memref<1000000xf32, #tpu.memory_space<hbm>>) target(%dma_start3A_29 : memref<6656xf32, #tpu.memory_space<vmem>>) offsets(%dma_start3A_31 : memref<6656xi32, #tpu.memory_space<vmem>>) semaphore(%arg9 : memref<!tpu.dma_semaphore, #tpu.memory_space<semaphore_mem>>)
    %dma_start3A_37 = arith.constant 6656 : i32
    %dma_start3A_38 = tpu.memref_slice %arg5[%dma_start3A_37] : memref<13312xi32, #tpu.memory_space<vmem>> -> memref<6656xi32, #tpu.memory_space<vmem>>
    %dma_start3A_39 = arith.constant 0 : i32
    %dma_start3A_40 = tpu.memref_slice %arg2[%add3A, %dma_start3A_39] : memref<32x13312xi32, #tpu.memory_space<hbm>> -> memref<1x13312xi32, #tpu.memory_space<hbm>>
    %dma_start3A_41 = tpu.memref_squeeze %dma_start3A_40 : memref<1x13312xi32, #tpu.memory_space<hbm>> -> memref<13312xi32, #tpu.memory_space<hbm>>
    %dma_start3A_42 = arith.constant 6656 : i32
    %dma_start3A_43 = tpu.memref_slice %dma_start3A_41[%dma_start3A_42] : memref<13312xi32, #tpu.memory_space<hbm>> -> memref<6656xi32, #tpu.memory_space<hbm>>
    %dma_start3A_44 = arith.constant 6656 : i32
    %dma_start3A_45 = tpu.memref_slice %arg5[%dma_start3A_44] : memref<13312xi32, #tpu.memory_space<vmem>> -> memref<6656xi32, #tpu.memory_space<vmem>>
    %dma_start3A_46 = arith.constant 0 : i32
    %dma_start3A_47 = tpu.memref_slice %arg2[%add3A, %dma_start3A_46] : memref<32x13312xi32, #tpu.memory_space<hbm>> -> memref<1x13312xi32, #tpu.memory_space<hbm>>
    %dma_start3A_48 = tpu.memref_squeeze %dma_start3A_47 : memref<1x13312xi32, #tpu.memory_space<hbm>> -> memref<13312xi32, #tpu.memory_space<hbm>>
    %dma_start3A_49 = arith.constant 6656 : i32
    %dma_start3A_50 = tpu.memref_slice %dma_start3A_48[%dma_start3A_49] : memref<13312xi32, #tpu.memory_space<hbm>> -> memref<6656xi32, #tpu.memory_space<hbm>>
    tpu.enqueue_dma source(%dma_start3A_50 : memref<6656xi32, #tpu.memory_space<hbm>>) target(%dma_start3A_45 : memref<6656xi32, #tpu.memory_space<vmem>>) target_semaphore(%arg8 : memref<!tpu.dma_semaphore, #tpu.memory_space<semaphore_mem>>)
    %dma_wait3A_51 = arith.constant 6656 : i32
    %dma_wait3A_52 = tpu.memref_slice %arg5[%dma_wait3A_51] : memref<13312xi32, #tpu.memory_space<vmem>> -> memref<6656xi32, #tpu.memory_space<vmem>>
    %dma_wait3A_53 = arith.constant 0 : i32
    %dma_wait3A_54 = tpu.memref_slice %arg2[%add3A, %dma_wait3A_53] : memref<32x13312xi32, #tpu.memory_space<hbm>> -> memref<1x13312xi32, #tpu.memory_space<hbm>>
    %dma_wait3A_55 = tpu.memref_squeeze %dma_wait3A_54 : memref<1x13312xi32, #tpu.memory_space<hbm>> -> memref<13312xi32, #tpu.memory_space<hbm>>
    %dma_wait3A_56 = arith.constant 6656 : i32
    %dma_wait3A_57 = tpu.memref_slice %dma_wait3A_55[%dma_wait3A_56] : memref<13312xi32, #tpu.memory_space<hbm>> -> memref<6656xi32, #tpu.memory_space<hbm>>
    %dma_wait3A_58 = arith.constant 6656 : i32
    %dma_wait3A_59 = tpu.memref_slice %arg5[%dma_wait3A_58] : memref<13312xi32, #tpu.memory_space<vmem>> -> memref<6656xi32, #tpu.memory_space<vmem>>
    %dma_wait3A_60 = arith.constant 0 : i32
    %dma_wait3A_61 = tpu.memref_slice %arg2[%add3A, %dma_wait3A_60] : memref<32x13312xi32, #tpu.memory_space<hbm>> -> memref<1x13312xi32, #tpu.memory_space<hbm>>
    %dma_wait3A_62 = tpu.memref_squeeze %dma_wait3A_61 : memref<1x13312xi32, #tpu.memory_space<hbm>> -> memref<13312xi32, #tpu.memory_space<hbm>>
    %dma_wait3A_63 = arith.constant 6656 : i32
    %dma_wait3A_64 = tpu.memref_slice %dma_wait3A_62[%dma_wait3A_63] : memref<13312xi32, #tpu.memory_space<hbm>> -> memref<6656xi32, #tpu.memory_space<hbm>>
    tpu.wait_dma2 semaphore(%arg8 : memref<!tpu.dma_semaphore, #tpu.memory_space<semaphore_mem>>) src(%dma_wait3A_64 : memref<6656xi32, #tpu.memory_space<hbm>>) dst(%dma_wait3A_59 : memref<6656xi32, #tpu.memory_space<vmem>>)
    %dma_start3A_65 = arith.constant 0 : i32
    %dma_start3A_66 = arith.constant 6656 : i32
    %dma_start3A_67 = tpu.memref_slice %arg6[%dma_start3A_66] : memref<13312xf32, #tpu.memory_space<vmem>> -> memref<6656xf32, #tpu.memory_space<vmem>>
    %dma_start3A_68 = arith.constant 6656 : i32
    %dma_start3A_69 = tpu.memref_slice %arg5[%dma_start3A_68] : memref<13312xi32, #tpu.memory_space<vmem>> -> memref<6656xi32, #tpu.memory_space<vmem>>
    %dma_start3A_70 = arith.constant 0 : i32
    %dma_start3A_71 = tpu.memref_slice %arg3[%dma_start3A_65, %dma_start3A_70] : memref<1x1000000xf32, #tpu.memory_space<hbm>> -> memref<1x1000000xf32, #tpu.memory_space<hbm>>
    %dma_start3A_72 = tpu.memref_squeeze %dma_start3A_71 : memref<1x1000000xf32, #tpu.memory_space<hbm>> -> memref<1000000xf32, #tpu.memory_space<hbm>>
    %dma_start3A_73 = arith.constant 0 : i32
    %dma_start3A_74 = tpu.memref_slice %dma_start3A_72[%dma_start3A_73] : memref<1000000xf32, #tpu.memory_space<hbm>> -> memref<1000000xf32, #tpu.memory_space<hbm>>
    tpu.enqueue_indirect_dma source(%dma_start3A_74 : memref<1000000xf32, #tpu.memory_space<hbm>>) target(%dma_start3A_67 : memref<6656xf32, #tpu.memory_space<vmem>>) offsets(%dma_start3A_69 : memref<6656xi32, #tpu.memory_space<vmem>>) semaphore(%arg10 : memref<!tpu.dma_semaphore, #tpu.memory_space<semaphore_mem>>)
    %dma_wait3A_75 = arith.constant 0 : i32
    %dma_wait3A_76 = arith.constant 0 : i32
    %dma_wait3A_77 = tpu.memref_slice %arg6[%dma_wait3A_76] : memref<13312xf32, #tpu.memory_space<vmem>> -> memref<6656xf32, #tpu.memory_space<vmem>>
    %dma_wait3A_78 = arith.constant 0 : i32
    %dma_wait3A_79 = tpu.memref_slice %arg5[%dma_wait3A_78] : memref<13312xi32, #tpu.memory_space<vmem>> -> memref<6656xi32, #tpu.memory_space<vmem>>
    %dma_wait3A_80 = arith.constant 0 : i32
    %dma_wait3A_81 = tpu.memref_slice %arg3[%dma_wait3A_75, %dma_wait3A_80] : memref<1x1000000xf32, #tpu.memory_space<hbm>> -> memref<1x1000000xf32, #tpu.memory_space<hbm>>
    %dma_wait3A_82 = tpu.memref_squeeze %dma_wait3A_81 : memref<1x1000000xf32, #tpu.memory_space<hbm>> -> memref<1000000xf32, #tpu.memory_space<hbm>>
    %dma_wait3A_83 = arith.constant 0 : i32
    %dma_wait3A_84 = tpu.memref_slice %dma_wait3A_82[%dma_wait3A_83] : memref<1000000xf32, #tpu.memory_space<hbm>> -> memref<1000000xf32, #tpu.memory_space<hbm>>
    tpu.wait_indirect_dma semaphore(%arg9 : memref<!tpu.dma_semaphore, #tpu.memory_space<semaphore_mem>>) src(%dma_wait3A_84 : memref<1000000xf32, #tpu.memory_space<hbm>>) dst(%dma_wait3A_77 : memref<6656xf32, #tpu.memory_space<vmem>>)
    %parallel_loop3A = arith.constant 0 : i32
    %parallel_loop3A_85 = arith.constant 512 : i32
    %parallel_loop3A_86 = arith.constant 16 : i32
    scf.for %parallel_loop3A_102 = %parallel_loop3A to %parallel_loop3A_85 step %parallel_loop3A_86  : i32 {
      %parallel_loop3A_103 = arith.index_cast %parallel_loop3A_102 : i32 to index
      %parallel_loop3A_104 = tpu.vector_load %arg6[%parallel_loop3A_103] {strides = array<i32>} : memref<13312xf32, #tpu.memory_space<vmem>>, vector<16xf32>,
      %parallel_loop3A_105 = arith.constant 512 : i32
      %parallel_loop3A_106 = arith.addi %parallel_loop3A_105, %parallel_loop3A_102 : i32
      %parallel_loop3A_107 = arith.index_cast %parallel_loop3A_106 : i32 to index
      %parallel_loop3A_108 = tpu.vector_load %arg6[%parallel_loop3A_107] {strides = array<i32>} : memref<13312xf32, #tpu.memory_space<vmem>>, vector<16xf32>,
      %parallel_loop3A_109 = arith.addf %parallel_loop3A_104, %parallel_loop3A_108 : vector<16xf32>
      %parallel_loop3A_110 = arith.constant 1024 : i32
      %parallel_loop3A_111 = arith.addi %parallel_loop3A_110, %parallel_loop3A_102 : i32
      %parallel_loop3A_112 = arith.index_cast %parallel_loop3A_111 : i32 to index
      %parallel_loop3A_113 = tpu.vector_load %arg6[%parallel_loop3A_112] {strides = array<i32>} : memref<13312xf32, #tpu.memory_space<vmem>>, vector<16xf32>,
      %parallel_loop3A_114 = arith.addf %parallel_loop3A_109, %parallel_loop3A_113 : vector<16xf32>
      %parallel_loop3A_115 = arith.constant 1536 : i32
      %parallel_loop3A_116 = arith.addi %parallel_loop3A_115, %parallel_loop3A_102 : i32
      %parallel_loop3A_117 = arith.index_cast %parallel_loop3A_116 : i32 to index
      %parallel_loop3A_118 = tpu.vector_load %arg6[%parallel_loop3A_117] {strides = array<i32>} : memref<13312xf32, #tpu.memory_space<vmem>>, vector<16xf32>,
      %parallel_loop3A_119 = arith.addf %parallel_loop3A_114, %parallel_loop3A_118 : vector<16xf32>
      %parallel_loop3A_120 = arith.constant 2048 : i32
      %parallel_loop3A_121 = arith.addi %parallel_loop3A_120, %parallel_loop3A_102 : i32
      %parallel_loop3A_122 = arith.index_cast %parallel_loop3A_121 : i32 to index
      %parallel_loop3A_123 = tpu.vector_load %arg6[%parallel_loop3A_122] {strides = array<i32>} : memref<13312xf32, #tpu.memory_space<vmem>>, vector<16xf32>,
      %parallel_loop3A_124 = arith.addf %parallel_loop3A_119, %parallel_loop3A_123 : vector<16xf32>
      %parallel_loop3A_125 = arith.constant 2560 : i32
      %parallel_loop3A_126 = arith.addi %parallel_loop3A_125, %parallel_loop3A_102 : i32
      %parallel_loop3A_127 = arith.index_cast %parallel_loop3A_126 : i32 to index
      %parallel_loop3A_128 = tpu.vector_load %arg6[%parallel_loop3A_127] {strides = array<i32>} : memref<13312xf32, #tpu.memory_space<vmem>>, vector<16xf32>,
      %parallel_loop3A_129 = arith.addf %parallel_loop3A_124, %parallel_loop3A_128 : vector<16xf32>
      %parallel_loop3A_130 = arith.constant 3072 : i32
      %parallel_loop3A_131 = arith.addi %parallel_loop3A_130, %parallel_loop3A_102 : i32
      %parallel_loop3A_132 = arith.index_cast %parallel_loop3A_131 : i32 to index
      %parallel_loop3A_133 = tpu.vector_load %arg6[%parallel_loop3A_132] {strides = array<i32>} : memref<13312xf32, #tpu.memory_space<vmem>>, vector<16xf32>,
      %parallel_loop3A_134 = arith.addf %parallel_loop3A_129, %parallel_loop3A_133 : vector<16xf32>
      %parallel_loop3A_135 = arith.constant 3584 : i32
      %parallel_loop3A_136 = arith.addi %parallel_loop3A_135, %parallel_loop3A_102 : i32
      %parallel_loop3A_137 = arith.index_cast %parallel_loop3A_136 : i32 to index
      %parallel_loop3A_138 = tpu.vector_load %arg6[%parallel_loop3A_137] {strides = array<i32>} : memref<13312xf32, #tpu.memory_space<vmem>>, vector<16xf32>,
      %parallel_loop3A_139 = arith.addf %parallel_loop3A_134, %parallel_loop3A_138 : vector<16xf32>
      %parallel_loop3A_140 = arith.constant 4096 : i32
      %parallel_loop3A_141 = arith.addi %parallel_loop3A_140, %parallel_loop3A_102 : i32
      %parallel_loop3A_142 = arith.index_cast %parallel_loop3A_141 : i32 to index
      %parallel_loop3A_143 = tpu.vector_load %arg6[%parallel_loop3A_142] {strides = array<i32>} : memref<13312xf32, #tpu.memory_space<vmem>>, vector<16xf32>,
      %parallel_loop3A_144 = arith.addf %parallel_loop3A_139, %parallel_loop3A_143 : vector<16xf32>
      %parallel_loop3A_145 = arith.constant 4608 : i32
      %parallel_loop3A_146 = arith.addi %parallel_loop3A_145, %parallel_loop3A_102 : i32
      %parallel_loop3A_147 = arith.index_cast %parallel_loop3A_146 : i32 to index
      %parallel_loop3A_148 = tpu.vector_load %arg6[%parallel_loop3A_147] {strides = array<i32>} : memref<13312xf32, #tpu.memory_space<vmem>>, vector<16xf32>,
      %parallel_loop3A_149 = arith.addf %parallel_loop3A_144, %parallel_loop3A_148 : vector<16xf32>
      %parallel_loop3A_150 = arith.constant 5120 : i32
      %parallel_loop3A_151 = arith.addi %parallel_loop3A_150, %parallel_loop3A_102 : i32
      %parallel_loop3A_152 = arith.index_cast %parallel_loop3A_151 : i32 to index
      %parallel_loop3A_153 = tpu.vector_load %arg6[%parallel_loop3A_152] {strides = array<i32>} : memref<13312xf32, #tpu.memory_space<vmem>>, vector<16xf32>,
      %parallel_loop3A_154 = arith.addf %parallel_loop3A_149, %parallel_loop3A_153 : vector<16xf32>
      %parallel_loop3A_155 = arith.constant 5632 : i32
      %parallel_loop3A_156 = arith.addi %parallel_loop3A_155, %parallel_loop3A_102 : i32
      %parallel_loop3A_157 = arith.index_cast %parallel_loop3A_156 : i32 to index
      %parallel_loop3A_158 = tpu.vector_load %arg6[%parallel_loop3A_157] {strides = array<i32>} : memref<13312xf32, #tpu.memory_space<vmem>>, vector<16xf32>,
      %parallel_loop3A_159 = arith.addf %parallel_loop3A_154, %parallel_loop3A_158 : vector<16xf32>
      %parallel_loop3A_160 = arith.constant 6144 : i32
      %parallel_loop3A_161 = arith.addi %parallel_loop3A_160, %parallel_loop3A_102 : i32
      %parallel_loop3A_162 = arith.index_cast %parallel_loop3A_161 : i32 to index
      %parallel_loop3A_163 = tpu.vector_load %arg6[%parallel_loop3A_162] {strides = array<i32>} : memref<13312xf32, #tpu.memory_space<vmem>>, vector<16xf32>,
      %parallel_loop3A_164 = arith.addf %parallel_loop3A_159, %parallel_loop3A_163 : vector<16xf32>
      %parallel_loop3A_165 = arith.index_cast %parallel_loop3A_102 : i32 to index
      %parallel_loop3A_166 = tpu.vector_load %arg7[%parallel_loop3A_165] {strides = array<i32>} : memref<512xf32, #tpu.memory_space<vmem>>, vector<16xf32>,
      tpu.vector_store %arg7[%parallel_loop3A_165], %parallel_loop3A_164 {strides = array<i32>} : memref<512xf32, #tpu.memory_space<vmem>>, vector<16xf32>,
    } {sc.loop_unroll_factor = 2 : i64, sc.parallel_access}
    %dma_wait3A_87 = arith.constant 0 : i32
    %dma_wait3A_88 = arith.constant 6656 : i32
    %dma_wait3A_89 = tpu.memref_slice %arg6[%dma_wait3A_88] : memref<13312xf32, #tpu.memory_space<vmem>> -> memref<6656xf32, #tpu.memory_space<vmem>>
    %dma_wait3A_90 = arith.constant 6656 : i32
    %dma_wait3A_91 = tpu.memref_slice %arg5[%dma_wait3A_90] : memref<13312xi32, #tpu.memory_space<vmem>> -> memref<6656xi32, #tpu.memory_space<vmem>>
    %dma_wait3A_92 = arith.constant 0 : i32
    %dma_wait3A_93 = tpu.memref_slice %arg3[%dma_wait3A_87, %dma_wait3A_92] : memref<1x1000000xf32, #tpu.memory_space<hbm>> -> memref<1x1000000xf32, #tpu.memory_space<hbm>>
    %dma_wait3A_94 = tpu.memref_squeeze %dma_wait3A_93 : memref<1x1000000xf32, #tpu.memory_space<hbm>> -> memref<1000000xf32, #tpu.memory_space<hbm>>
    %dma_wait3A_95 = arith.constant 0 : i32
    %dma_wait3A_96 = tpu.memref_slice %dma_wait3A_94[%dma_wait3A_95] : memref<1000000xf32, #tpu.memory_space<hbm>> -> memref<1000000xf32, #tpu.memory_space<hbm>>
    tpu.wait_indirect_dma semaphore(%arg10 : memref<!tpu.dma_semaphore, #tpu.memory_space<semaphore_mem>>) src(%dma_wait3A_96 : memref<1000000xf32, #tpu.memory_space<hbm>>) dst(%dma_wait3A_89 : memref<6656xf32, #tpu.memory_space<vmem>>)
    %parallel_loop3A_97 = arith.constant 0 : i32
    %parallel_loop3A_98 = arith.constant 512 : i32
    %parallel_loop3A_99 = arith.constant 16 : i32
    scf.for %parallel_loop3A_102 = %parallel_loop3A_97 to %parallel_loop3A_98 step %parallel_loop3A_99  : i32 {
      %parallel_loop3A_103 = arith.index_cast %parallel_loop3A_102 : i32 to index
      %parallel_loop3A_104 = tpu.vector_load %arg7[%parallel_loop3A_103] {strides = array<i32>} : memref<512xf32, #tpu.memory_space<vmem>>, vector<16xf32>,
      %parallel_loop3A_105 = arith.constant 6656 : i32
      %parallel_loop3A_106 = arith.addi %parallel_loop3A_105, %parallel_loop3A_102 : i32
      %parallel_loop3A_107 = arith.index_cast %parallel_loop3A_106 : i32 to index
      %parallel_loop3A_108 = tpu.vector_load %arg6[%parallel_loop3A_107] {strides = array<i32>} : memref<13312xf32, #tpu.memory_space<vmem>>, vector<16xf32>,
      %parallel_loop3A_109 = arith.addf %parallel_loop3A_104, %parallel_loop3A_108 : vector<16xf32>
      %parallel_loop3A_110 = arith.constant 7168 : i32
      %parallel_loop3A_111 = arith.addi %parallel_loop3A_110, %parallel_loop3A_102 : i32
      %parallel_loop3A_112 = arith.index_cast %parallel_loop3A_111 : i32 to index
      %parallel_loop3A_113 = tpu.vector_load %arg6[%parallel_loop3A_112] {strides = array<i32>} : memref<13312xf32, #tpu.memory_space<vmem>>, vector<16xf32>,
      %parallel_loop3A_114 = arith.addf %parallel_loop3A_109, %parallel_loop3A_113 : vector<16xf32>
      %parallel_loop3A_115 = arith.constant 7680 : i32
      %parallel_loop3A_116 = arith.addi %parallel_loop3A_115, %parallel_loop3A_102 : i32
      %parallel_loop3A_117 = arith.index_cast %parallel_loop3A_116 : i32 to index
      %parallel_loop3A_118 = tpu.vector_load %arg6[%parallel_loop3A_117] {strides = array<i32>} : memref<13312xf32, #tpu.memory_space<vmem>>, vector<16xf32>,
      %parallel_loop3A_119 = arith.addf %parallel_loop3A_114, %parallel_loop3A_118 : vector<16xf32>
      %parallel_loop3A_120 = arith.constant 8192 : i32
      %parallel_loop3A_121 = arith.addi %parallel_loop3A_120, %parallel_loop3A_102 : i32
      %parallel_loop3A_122 = arith.index_cast %parallel_loop3A_121 : i32 to index
      %parallel_loop3A_123 = tpu.vector_load %arg6[%parallel_loop3A_122] {strides = array<i32>} : memref<13312xf32, #tpu.memory_space<vmem>>, vector<16xf32>,
      %parallel_loop3A_124 = arith.addf %parallel_loop3A_119, %parallel_loop3A_123 : vector<16xf32>
      %parallel_loop3A_125 = arith.constant 8704 : i32
      %parallel_loop3A_126 = arith.addi %parallel_loop3A_125, %parallel_loop3A_102 : i32
      %parallel_loop3A_127 = arith.index_cast %parallel_loop3A_126 : i32 to index
      %parallel_loop3A_128 = tpu.vector_load %arg6[%parallel_loop3A_127] {strides = array<i32>} : memref<13312xf32, #tpu.memory_space<vmem>>, vector<16xf32>,
      %parallel_loop3A_129 = arith.addf %parallel_loop3A_124, %parallel_loop3A_128 : vector<16xf32>
      %parallel_loop3A_130 = arith.constant 9216 : i32
      %parallel_loop3A_131 = arith.addi %parallel_loop3A_130, %parallel_loop3A_102 : i32
      %parallel_loop3A_132 = arith.index_cast %parallel_loop3A_131 : i32 to index
      %parallel_loop3A_133 = tpu.vector_load %arg6[%parallel_loop3A_132] {strides = array<i32>} : memref<13312xf32, #tpu.memory_space<vmem>>, vector<16xf32>,
      %parallel_loop3A_134 = arith.addf %parallel_loop3A_129, %parallel_loop3A_133 : vector<16xf32>
      %parallel_loop3A_135 = arith.constant 9728 : i32
      %parallel_loop3A_136 = arith.addi %parallel_loop3A_135, %parallel_loop3A_102 : i32
      %parallel_loop3A_137 = arith.index_cast %parallel_loop3A_136 : i32 to index
      %parallel_loop3A_138 = tpu.vector_load %arg6[%parallel_loop3A_137] {strides = array<i32>} : memref<13312xf32, #tpu.memory_space<vmem>>, vector<16xf32>,
      %parallel_loop3A_139 = arith.addf %parallel_loop3A_134, %parallel_loop3A_138 : vector<16xf32>
      %parallel_loop3A_140 = arith.constant 10240 : i32
      %parallel_loop3A_141 = arith.addi %parallel_loop3A_140, %parallel_loop3A_102 : i32
      %parallel_loop3A_142 = arith.index_cast %parallel_loop3A_141 : i32 to index
      %parallel_loop3A_143 = tpu.vector_load %arg6[%parallel_loop3A_142] {strides = array<i32>} : memref<13312xf32, #tpu.memory_space<vmem>>, vector<16xf32>,
      %parallel_loop3A_144 = arith.addf %parallel_loop3A_139, %parallel_loop3A_143 : vector<16xf32>
      %parallel_loop3A_145 = arith.constant 10752 : i32
      %parallel_loop3A_146 = arith.addi %parallel_loop3A_145, %parallel_loop3A_102 : i32
      %parallel_loop3A_147 = arith.index_cast %parallel_loop3A_146 : i32 to index
      %parallel_loop3A_148 = tpu.vector_load %arg6[%parallel_loop3A_147] {strides = array<i32>} : memref<13312xf32, #tpu.memory_space<vmem>>, vector<16xf32>,
      %parallel_loop3A_149 = arith.addf %parallel_loop3A_144, %parallel_loop3A_148 : vector<16xf32>
      %parallel_loop3A_150 = arith.constant 11264 : i32
      %parallel_loop3A_151 = arith.addi %parallel_loop3A_150, %parallel_loop3A_102 : i32
      %parallel_loop3A_152 = arith.index_cast %parallel_loop3A_151 : i32 to index
      %parallel_loop3A_153 = tpu.vector_load %arg6[%parallel_loop3A_152] {strides = array<i32>} : memref<13312xf32, #tpu.memory_space<vmem>>, vector<16xf32>,
      %parallel_loop3A_154 = arith.addf %parallel_loop3A_149, %parallel_loop3A_153 : vector<16xf32>
      %parallel_loop3A_155 = arith.constant 11776 : i32
      %parallel_loop3A_156 = arith.addi %parallel_loop3A_155, %parallel_loop3A_102 : i32
      %parallel_loop3A_157 = arith.index_cast %parallel_loop3A_156 : i32 to index
      %parallel_loop3A_158 = tpu.vector_load %arg6[%parallel_loop3A_157] {strides = array<i32>} : memref<13312xf32, #tpu.memory_space<vmem>>, vector<16xf32>,
      %parallel_loop3A_159 = arith.addf %parallel_loop3A_154, %parallel_loop3A_158 : vector<16xf32>
      %parallel_loop3A_160 = arith.constant 12288 : i32
      %parallel_loop3A_161 = arith.addi %parallel_loop3A_160, %parallel_loop3A_102 : i32
      %parallel_loop3A_162 = arith.index_cast %parallel_loop3A_161 : i32 to index
      %parallel_loop3A_163 = tpu.vector_load %arg6[%parallel_loop3A_162] {strides = array<i32>} : memref<13312xf32, #tpu.memory_space<vmem>>, vector<16xf32>,
      %parallel_loop3A_164 = arith.addf %parallel_loop3A_159, %parallel_loop3A_163 : vector<16xf32>
      %parallel_loop3A_165 = arith.constant 12800 : i32
      %parallel_loop3A_166 = arith.addi %parallel_loop3A_165, %parallel_loop3A_102 : i32
      %parallel_loop3A_167 = arith.index_cast %parallel_loop3A_166 : i32 to index
      %parallel_loop3A_168 = tpu.vector_load %arg6[%parallel_loop3A_167] {strides = array<i32>} : memref<13312xf32, #tpu.memory_space<vmem>>, vector<16xf32>,
      %parallel_loop3A_169 = arith.addf %parallel_loop3A_164, %parallel_loop3A_168 : vector<16xf32>
      %parallel_loop3A_170 = arith.index_cast %parallel_loop3A_102 : i32 to index
      %parallel_loop3A_171 = tpu.vector_load %arg7[%parallel_loop3A_170] {strides = array<i32>} : memref<512xf32, #tpu.memory_space<vmem>>, vector<16xf32>,
      tpu.vector_store %arg7[%parallel_loop3A_170], %parallel_loop3A_169 {strides = array<i32>} : memref<512xf32, #tpu.memory_space<vmem>>, vector<16xf32>,
    } {sc.loop_unroll_factor = 2 : i64, sc.parallel_access}
    %mul3A_100 = arith.constant 512 : i32
    %mul3A_101 = arith.muli %add3A, %mul3A_100 : i32
    "tpu.region"() ({
      %run_scoped3A = tpu.sem_alloc : memref<!tpu.dma_semaphore, #tpu.memory_space<semaphore_mem>>
      %dma_start3A_102 = tpu.memref_slice %arg4[%mul3A_101] : memref<16384xf32, #tpu.memory_space<hbm>> -> memref<512xf32, #tpu.memory_space<hbm>>
      %dma_start3A_103 = tpu.memref_slice %arg4[%mul3A_101] : memref<16384xf32, #tpu.memory_space<hbm>> -> memref<512xf32, #tpu.memory_space<hbm>>
      tpu.enqueue_dma source(%arg7 : memref<512xf32, #tpu.memory_space<vmem>>) target(%dma_start3A_103 : memref<512xf32, #tpu.memory_space<hbm>>) target_semaphore(%run_scoped3A : memref<!tpu.dma_semaphore, #tpu.memory_space<semaphore_mem>>)
      %dma_wait3A_104 = tpu.memref_slice %arg4[%mul3A_101] : memref<16384xf32, #tpu.memory_space<hbm>> -> memref<512xf32, #tpu.memory_space<hbm>>
      %dma_wait3A_105 = tpu.memref_slice %arg4[%mul3A_101] : memref<16384xf32, #tpu.memory_space<hbm>> -> memref<512xf32, #tpu.memory_space<hbm>>
      tpu.wait_dma2 semaphore(%run_scoped3A : memref<!tpu.dma_semaphore, #tpu.memory_space<semaphore_mem>>) src(%arg7 : memref<512xf32, #tpu.memory_space<vmem>>) dst(%dma_wait3A_105 : memref<512xf32, #tpu.memory_space<hbm>>)
      tpu.yield
    }) : () -> ()
    return
  }
}

</mosaic_0001>

<sc_bundles>
// kernel: kernel.3.cloned.1.call-start
scs
__scs_entry_jumppad:
0x0: {  	(pc) =	sbr.rel $0x88, $3  }
0x1: {  	(tag) =	ssettag $0x0;
	lr =	simm.s32 $0x1  }
0x2: {  	[smem:$0x3F9F] =	sst lr;
	_ =	strace $0xD0000000  }
0x3: {  	_ = 	snop  }
0x4: {  	_ = 	snop  }
0x5: {  	_ = 	snop  }
0x6: {  	_ = 	snop  }
0x7: {  	_ = 	snop  }
__scs_overlays_trampoline_lowered:
0x8: {  	[smem:$0x3FAE] =	sst s0  }
0x9: {  	[smem:$0x3FAF] =	sst s1  }
0xa: {  	[smem:$0x3FB0] =	sst s2  }
0xb: {  	[smem:$0x3FB1] =	sst s3  }
0xc: {  	[smem:$0x3FB2] =	sst s4  }
0xd: {  	[smem:$0x3FB3] =	sst s5  }
0xe: {  	[smem:$0x3FB4] =	sst s6  }
0xf: {  	[smem:$0x3FB5] =	sst s7  }
0x10: {  	[smem:$0x3FB6] =	sst s8  }
0x11: {  	[smem:$0x3FB7] =	sst s9;
	s0 =	simm.s32 @!p0 $0x0  }
0x12: {  	s1 =	sld [smem:$0x3F9D];
	s0 =	simm.s32 @p0 $0x1  }
0x13: {  	[smem:$0x3FB8] =	sst s0;
	s0 =	simm.s32 @!p1 $0x0  }
0x14: {  	s2 =	sld [smem:$0x3F9C];
	s0 =	simm.s32 @p1 $0x1  }
0x15: {  	[smem:$0x3FB9] =	sst s0;
	s0 =	simm.s32 @!p2 $0x0  }
0x16: {  	s3 =	sld [smem:$0x3FDB];
	s0 =	simm.s32 @p2 $0x1  }
0x17: {  	s4 =	simm.s32 $0x1BF5;
	[smem:$0x3FBB] =	sst s0  }
0x18: {  	s0 =	sld [smem:$0x3F9E];
	_ =	swait.ge [sflag:s4], $0x0  }
0x19: {  	s7 =	sld [smem:$0x3F9F]  }
0x1a: {  	s8 =	sadd.s32 $0xFFFFE003, lr  }
0x1b: {  	s9 =	sadd.s32 $0xFFFFFEF7, lr;
	s5 =	simm.s32 $0xFFFFFFFF;
	p2 =	slt.u32 s8, $0xFFFFF086  }
0x1c: {  	p1 =	slt.u32 s9, $0xF7A;
	s5 =	simm.s32 @!p2 $0x0  }
0x1d: {  	s5 =	simm.s32 @p1 $0x1;
	p0 =	seq.s32 s7, s2  }
0x1e: {  	s7 =	smul.u32 @!p0 $0xF7A, s2;
	p2 =	seq.s32 @!p0 s5, $0x0  }
0x1f: {  	s9 =	smul.u32 $0xF7A, s1;
	s8 =	simm.s32 @!p0 $0x1BF5;
	p2 =	por !p2, p0  }
0x20: {  	[sflag:s8] =	ssyncset.s32 @!p0 $0xFFFFF086;
	s6 =	sadd.s32 @!p0 s3, s7;
	s7 =	simm.s32 @!p0 $0x108  }
0x21: {  	s3 =	sadd.s32 s3, s9;
	s6 =	sadd.s32 @!p0 $0x88, s6;
	s7 =	simm.s32 @p2 $0x1082  }
0x22: {  	[simem:s7], [sflag:s8] =	dma.local @!p0 [hbm:s6], $0xF7A  }
0x23: {  	s9 =	sor.u32 $0xD0000000, s2;
	s6 =	simm.s32 $0x108;
	_ =	swait.ge @!p0 [sflag:s8], $0x0  }
0x24: {  	s3 =	sadd.s32 $0x88, s3;
	s6 =	simm.s32 @!p1 $0x1082;
	[sflag:s4] =	ssyncset.s32 $0xFFFFF086  }
0x25: {  	[simem:s6], [sflag:s4] =	dma.local [hbm:s3], $0xF7A  }
0x26: {  	[smem:$0x3F9F] =	sst s1;
	(tag) =	ssettag s2;
	_ =	strace s9  }
0x27: {  	s1 =	sld [smem:$0x3FAF]  }
0x28: {  	s2 =	sld [smem:$0x3FB0]  }
0x29: {  	s4 =	sld [smem:$0x3FB2]  }
0x2a: {  	p0 =	seq.s32 s5, $0x0;
	s5 =	sld [smem:$0x3FB3]  }
0x2b: {  	s6 =	sld [smem:$0x3FB4]  }
0x2c: {  	s7 =	sld [smem:$0x3FB5]  }
0x2d: {  	s3 =	simm.s32 $0x108;
	s8 =	sld [smem:$0x3FB6]  }
0x2e: {  	s3 =	simm.s32 @!p0 $0x1082;
	s9 =	sld [smem:$0x3FB7]  }
0x2f: {  	lr =	sadd.s32 s0, s3;
	s0 =	sld [smem:$0x3FAE]  }
0x30: {  	s3 =	sld [smem:$0x3FB1]  }
0x31: {  	[smem:$0x3FBA] =	sst s10  }
0x32: {  	s10 =	sld [smem:$0x3FB8];
	_ =	sdelay $0x3  }
0x33: {  	p0 =	seq.s32 s10, $0x1;
	s10 =	sld [smem:$0x3FBA];
	_ =	sdelay $0x3  }
0x34: {  	[smem:$0x3FBA] =	sst s10  }
0x35: {  	s10 =	sld [smem:$0x3FB9];
	_ =	sdelay $0x3  }
0x36: {  	p1 =	seq.s32 s10, $0x1;
	s10 =	sld [smem:$0x3FBA];
	_ =	sdelay $0x3  }
0x37: {  	[smem:$0x3FBA] =	sst s10  }
0x38: {  	s10 =	sld [smem:$0x3FBB]  }
0x39: {  	_ = 	snop;
	(pc) =	sbr.ind lr, $3  }
0x3a: {  	_ = 	snop  }
0x3b: {  	_ = 	snop  }
0x3c: {  	p2 =	seq.s32 s10, $0x1;
	s10 =	sld [smem:$0x3FBA]  }
0x3d: {  	_ =	shalt  }
0x3e: {  	_ =	shalt  }
0x3f: {  	_ =	shalt  }
0x40: {  	_ =	shalt  }
0x41: {  	_ =	shalt  }
0x42: {  	_ =	shalt  }
0x43: {  	_ =	shalt  }
0x44: {  	_ =	shalt  }
0x45: {  	_ =	shalt  }
0x46: {  	_ =	shalt  }
0x47: {  	_ =	shalt  }
0x48: {  	_ =	shalt  }
0x49: {  	_ =	shalt  }
0x4a: {  	_ =	shalt  }
0x4b: {  	_ =	shalt  }
0x4c: {  	_ =	shalt  }
0x4d: {  	_ =	shalt  }
0x4e: {  	_ =	shalt  }
0x4f: {  	_ =	shalt  }
0x50: {  	_ =	shalt  }
0x51: {  	_ =	shalt  }
0x52: {  	_ =	shalt  }
0x53: {  	_ =	shalt  }
0x54: {  	_ =	shalt  }
0x55: {  	_ =	shalt  }
0x56: {  	_ =	shalt  }
0x57: {  	_ =	shalt  }
0x58: {  	_ =	shalt  }
0x59: {  	_ =	shalt  }
0x5a: {  	_ =	shalt  }
0x5b: {  	_ =	shalt  }
0x5c: {  	_ =	shalt  }
0x5d: {  	_ =	shalt  }
0x5e: {  	_ =	shalt  }
0x5f: {  	_ =	shalt  }
0x60: {  	_ =	shalt  }
0x61: {  	_ =	shalt  }
0x62: {  	_ =	shalt  }
0x63: {  	_ =	shalt  }
0x64: {  	_ =	shalt  }
0x65: {  	_ =	shalt  }
0x66: {  	_ =	shalt  }
0x67: {  	_ =	shalt  }
0x68: {  	_ =	shalt  }
0x69: {  	_ =	shalt  }
0x6a: {  	_ =	shalt  }
0x6b: {  	_ =	shalt  }
0x6c: {  	_ =	shalt  }
0x6d: {  	_ =	shalt  }
0x6e: {  	_ =	shalt  }
0x6f: {  	_ =	shalt  }
0x70: {  	_ =	shalt  }
0x71: {  	_ =	shalt  }
0x72: {  	_ =	shalt  }
0x73: {  	_ =	shalt  }
0x74: {  	_ =	shalt  }
0x75: {  	_ =	shalt  }
0x76: {  	_ =	shalt  }
0x77: {  	_ =	shalt  }
0x78: {  	_ =	shalt  }
0x79: {  	_ =	shalt  }
0x7a: {  	_ =	shalt  }
0x7b: {  	_ =	shalt  }
0x7c: {  	_ =	shalt  }
0x7d: {  	_ =	shalt  }
0x7e: {  	_ =	shalt  }
0x7f: {  	_ =	shalt  }
0x80: {  	_ =	shalt  }
0x81: {  	_ =	shalt  }
0x82: {  	_ =	shalt  }
0x83: {  	_ =	shalt  }
0x84: {  	_ =	shalt  }
0x85: {  	_ =	shalt  }
0x86: {  	_ =	shalt  }
0x87: {  	_ =	shalt  }
.Lfunc_end0:
.L_simem_size_0:
called_computation_lowered:
.L_overlay_start_0:
0x88: {  	s2 =	sld [smem:$0x3FD9]  }
0x89: {  	s3 =	sld [smem:$0x3FFE];
	_ =	sdelay $0x1  }
0x8a: {  	s1 =	srdreg.scid  }
0x8b: {  	s0 =	sand.u32 $0x1, s1  }
0x8c: {  	s17 =	sshll.u32 s0, $0xA;
	s2 =	sadd.s32 s3, s2  }
0x8d: {  	s2 =	sadd.s32 s2, s17  }
0x8e: {  	[smem:$0x3FC6] =	sst s2  }
0x8f: {  	_ = 	snop  }
0x90: {  	s2 =	sld [smem:$0x3FC8]  }
0x91: {  	s18 =	sld [smem:$0x3FD0];
	(tm) =	ssettm $0x1  }
0x92: {  	s4 =	sld [smem:$0x3FFB];
	_ =	sdelay $0x3  }
0x93: {  	_ =	strace s4  }
0x94: {  	s4 =	sld [smem:$0x3FFC];
	_ =	sdelay $0x3  }
0x95: {  	_ =	strace s4  }
0x96: {  	s4 =	sld [smem:$0x3FFD];
	_ =	sdelay $0x3  }
0x97: {  	_ =	strace s4  }
0x98: {  	_ =	strace $0x8FFFFFFF  }
0x99: {  	s19 =	sld [smem:$0x3FDB];
	_ =	sdelay $0x1  }
0x9a: {  	s5 =	simm.s32 $_scs_section_size  }
0x9b: {  	s6 =	simm.s32 $_size__tile_overlayer_lowered;
	s7 =	simm.s32 $_tile_overlayer_lowered  }
0x9c: {  	s22 =	simm.s32 $0x1BFF;
	s21 =	sshll.u32 s7, $0x1;
	s4 =	sadd.s32 s5, s19  }
0x9d: {  	s8 =	simm.s32 $0x0;
	s20 =	sshll.u32 s6, $0x1;
	s6 =	sadd.s32 s21, s4  }
0x9e: {  	[timem:s8], [sflag:s22] =	dma.local [hbm:s6], s20  }
0x9f: {  	_ =	swait.ge [sflag:s22], s20  }
0xa0: {  	s5 =	ssub.s32 $0x0, s20;
	[sflag:s22] =	ssyncset.done $0x0  }
0xa1: {  	[sflag:s22] =	ssyncadd.s32 s5;
	_ =	sdelay $0x1  }
0xa2: {  	s23 =	simm.s32 $0x1B8B  }
0xa3: {  	_ =	swait.ge [sflag:s23], $0x1  }
0xa4: {  	[sflag:s23] =	ssyncset.done $0x0  }
0xa5: {  	s25 =	simm.s32 $0x1B8E;
	s24 =	sld [smem:$0x3FFE];
	[sflag:s23] =	ssyncadd.s32 $0xFFFFFFFF  }
0xa6: {  	s26 =	simm.s32 $execute0_lowered;
	[smem:$0x3FD2] =	sst s25  }
0xa7: {  	s6 =	sshll.u32 s26, $0x1;
	_ =	strace $0x80000046;
	[dreg:$0x1] =	wrdreg $0xFFFFFFFF  }
0xa8: {  	s28 =	simm.s32 $_size_execute0_lowered;
	s4 =	sadd.s32 s4, s6;
	[dreg:$0x0] =	wrdreg $0x0  }
0xa9: {  	s6 =	sshll.u32 s28, $0x1;
	[dreg:$0x2] =	wrdreg s4  }
0xaa: {  	[dreg:$0x3] =	wrdreg s6  }
0xab: {  	[dreg:$0x4] =	wrdreg $0xC0  }
0xac: {  	_ =	task [dreg:s8], $0x5FFFF  }
0xad: {  	[dreg:$0x1] =	wrdreg $0xFFFFFFFF  }
0xae: {  	[dreg:$0x0] =	wrdreg $0x60  }
0xaf: {  	[dreg:$0x2] =	wrdreg s24  }
0xb0: {  	[dreg:$0x3] =	wrdreg s2  }
0xb1: {  	[dreg:$0x4] =	wrdreg s18  }
0xb2: {  	[dreg:$0x5] =	wrdreg $0x9  }
0xb3: {  	_ =	task.clear_ibuf [dreg:s8], $0x6FFFF;
	_ =	strace $0x90000046  }
0xb4: {  	s29 =	simm.s32 $0x9;
	_ =	strace $0x80000048  }
0xb5: {  	_ =	swait.ge [sflag:s29], $0x1  }
0xb6: {  	[sflag:s29] =	ssyncadd.s32 $0xFFFFFFFF  }
0xb7: {  	_ =	strace $0x90000048  }
0xb8: {  	_ =	sfence  }
0xb9: {  	s30 =	sld [smem:$0x0];
	_ =	sdelay $0x2  }
0xba: {  	s31 =	sshll.u32 s1, $0xD;
	s1 =	sshrl.u32 s1, $0x2  }
0xbb: {  	s3 =	sand.u32 $0x4000, s31;
	s1 =	sadd.s32 s1, s30  }
0xbc: {  	s0 =	sor.u32 s3, s0;
	s1 =	sshll.u32 s1, $0x11  }
0xbd: {  	s0 =	sor.u32 s1, s0  }
0xbe: {  	s0 =	sadd.s32 $0x8F2B, s0  }
0xbf: {  	[sflag:s0] =	ssyncadd.remote.s32 $0x1  }
0xc0: {  	_ =	sfence.sel $0xFFFF  }
0xc1: {  	[dreg:$0x0] =	wrdreg $0xFFFFFFFF;
	(pc) =	sbr.abs _section_cstart, $3  }
0xc2: {  	[dreg:$0x1] =	wrdreg $0xFFFFFFFF  }
0xc3: {  	_ =	task.clear_ibuf [dreg:s8], $0x2FFFF;
	_ =	strace $0x9FFFFFFF  }
0xc4: {  	(tm) =	ssettm $0x7FFFFFFF  }
0xc5: {  	_ =	shalt  }
tec
execute0_lowered:
.L_overlay_start_1:
0x0: {  	(tag) =	ssettag $0x1  }
0x1: {  	s4 =	rddreg [dreg:$0x0]  }
0x2: {  	s1 =	srdreg.scid;
	s2 =	rddreg [dreg:$0x1]  }
0x3: {  	s0 =	stileid.u32;
	s7 =	rddreg [dreg:$0x2]  }
0x4: {  	s3 =	simm.s32 $0x0;
	s10 =	simm.s32 $0x1;
	s11 =	simm.s32 $0x1A00  }
0x5: {  	s12 =	simm.s32 $0x3400;
	s13 =	simm.s32 $0x4E00;
	s14 =	simm.s32 $0x2  }
0x6: {  	s15 =	simm.s32 $0x3;
	s16 =	simm.s32 $0x6800;
	s17 =	simm.s32 $0x4  }
0x7: {  	s18 =	simm.s32 $0x0;
	s5 =	sand.u32 $0x1, s1;
	s29 =	sshll.u32 s0, $0x1  }
0x8: {  	s30 =	sshrl.u32 s0, $0x2;
	s1 =	rddreg [dreg:$0x3];
	s6 =	sor.u32 s5, s29  }
0x9: {  	[smem:$0x7FF] =	sst s3;
	s8 =	smul.u32 $0x1A000, s30;
	s9 =	sshll.u32 s6, $0x7  }
0xa: {  	s5 =	ssub.s32 $0x2, s5;
	_ =	strace $0x80000047;
	s9 =	sand.u32 $0x380, s9  }
0xb: {  	s31 =	sshrl.u32 s5, $0x1;
	s6 =	sshll.u32 s6, $0x6;
	s8 =	sor.u32 s8, s9  }
0xc: {  	s6 =	sadd.s32 s7, s6;
	s9 =	ssub.s32 s5, s31;
	s8 =	sshrl.u32 s8, $0x3  }
0xd: {  	s7 =	smax.u32 s9, $0x1;
	s9 =	simm.s32 $0x400;
	s8 =	sadd.s32 s8, s4  }
0xe: {  	s4 =	sadd.s32 $0x400, s8;
	s5 =	sadd.s32 $0x1E00, s8;
	s8 =	simm.s32 $0x80  }
.LBB2_1:
0xf: {  	[tilespmem:s3], [sflag:$0x1] =	stream.strided.gather [hbm4b:s4+s8], $0x1A00, s9, s8, $0x38;
	[tilespmem:$0x6A00] =	vst v63  }
0x10: {  	_ =	swait.ge [sflag:s10], $0x1A00  }
0x11: {  	[sflag:s10] =	ssyncset.done $0x0  }
0x12: {  	[sflag:s10] =	ssyncadd.s32 $0xFFFFE600  }
0x13: {  	[tilespmem:s12], [sflag:$0x2] =	stream.indirect.gather [hbm4b:s2+s11], $0x1, s3, s11, $0xb8;
	[tilespmem:$0x6A00] =	vst v63  }
0x14: {  	_ = 	snop  }
0x15: {  	[tilespmem:s11], [sflag:$0x1] =	stream.strided.gather [hbm4b:s5+s8], $0x1A00, s9, s8, $0x38;
	[tilespmem:$0x6A00] =	vst v63  }
0x16: {  	_ =	swait.ge [sflag:s10], $0x1A00  }
0x17: {  	[sflag:s10] =	ssyncset.done $0x0  }
0x18: {  	[sflag:s10] =	ssyncadd.s32 $0xFFFFE600  }
0x19: {  	[tilespmem:s13], [sflag:$0x3] =	stream.indirect.gather [hbm4b:s2+s11], $0x1, s11, s11, $0xb8;
	[tilespmem:$0x6A00] =	vst v63  }
0x1a: {  	_ =	swait.ge [sflag:s14], $0x1A00  }
0x1b: {  	[sflag:s14] =	ssyncset.done $0x0  }
0x1c: {  	s19 =	simm.s32 $0x4010;
	s20 =	simm.s32 $0x0;
	[sflag:s14] =	ssyncadd.s32 $0xFFFFE600  }
0x1d: {  	s20 =	sand.u32 $0x1E0, s20;
	v0 =	vld [tilespmem:s19+$0xFFFFF3F0]  }
0x1e: {  	v1 =	vld [tilespmem:s20+$0x3600]  }
0x1f: {  	v2 =	vld [tilespmem:s19+$0xFFFFF400]  }
0x20: {  	v3 =	vld [tilespmem:s20+$0x3800]  }
0x21: {  	v4 =	vld [tilespmem:s19+$0xFFFFF600]  }
0x22: {  	v5 =	vld [tilespmem:s20+$0x3A00]  }
0x23: {  	v6 =	vld [tilespmem:s19+$0xFFFFF800]  }
0x24: {  	v7 =	vld [tilespmem:s20+$0x3C00]  }
0x25: {  	v8 =	vld [tilespmem:s19+$0xFFFFFA00]  }
0x26: {  	v9 =	vld [tilespmem:s20+$0x3E00]  }
0x27: {  	v10 =	vld [tilespmem:s19+$0xFFFFFC00]  }
0x28: {  	v11 =	vld [tilespmem:s20+$0x4000]  }
0x29: {  	v12 =	vld [tilespmem:s19+$0xFFFFFE00]  }
0x2a: {  	v13 =	vld [tilespmem:s20+$0x4200]  }
0x2b: {  	v14 =	vld [tilespmem:s19+$0x0]  }
0x2c: {  	v15 =	vld [tilespmem:s20+$0x4400]  }
0x2d: {  	v16 =	vld [tilespmem:s19+$0x200]  }
0x2e: {  	v17 =	vld [tilespmem:s20+$0x4600]  }
0x2f: {  	v18 =	vld [tilespmem:s19+$0x400]  }
0x30: {  	v19 =	vld [tilespmem:s20+$0x4800]  }
0x31: {  	v20 =	vld [tilespmem:s19+$0x600]  }
0x32: {  	v21 =	vld [tilespmem:s20+$0x4A00]  }
0x33: {  	v22 =	vld [tilespmem:s19+$0x800]  }
0x34: {  	v23 =	vld [tilespmem:s20+$0x4C00]  }
0x35: {  	v24 =	vld [tilespmem:s19+$0xA00]  }
0x36: {  	s20 =	simm.s32 $0x20;
	v0 =	vadd.f32 v1, v0;
	v1 =	vadd.f32 v4, v2;
	v4 =	vld [tilespmem:s19+$0xC00];
	s19 =	simm.s32 $0x4030  }
0x37: {  	s22 =	sand.u32 $0x1E0, s20;
	v2 =	vld [tilespmem:s19+$0xFFFFF3F0]  }
0x38: {  	v0 =	vadd.f32 v3, v0;
	v3 =	vld [tilespmem:s22+$0x3600]  }
0x39: {  	v1 =	vadd.f32 v6, v1;
	v6 =	vld [tilespmem:s19+$0xFFFFF400]  }
0x3a: {  	v0 =	vadd.f32 v5, v0;
	v5 =	vld [tilespmem:s22+$0x3800]  }
0x3b: {  	v1 =	vadd.f32 v8, v1;
	v8 =	vld [tilespmem:s19+$0xFFFFF600]  }
0x3c: {  	v0 =	vadd.f32 v7, v0;
	v7 =	vld [tilespmem:s22+$0x3A00]  }
0x3d: {  	v1 =	vadd.f32 v10, v1;
	v2 =	vadd.f32 v3, v2;
	v3 =	vld [tilespmem:s19+$0xFFFFF800]  }
0x3e: {  	v58 =	vld [tilespmem:s22+$0x3C00];
	v0 =	vadd.f32 v9, v0  }
0x3f: {  	v1 =	vadd.f32 v12, v1;
	v2 =	vadd.f32 v5, v2;
	v5 =	vld [tilespmem:s19+$0xFFFFFA00]  }
0x40: {  	v59 =	vld [tilespmem:s22+$0x3E00];
	v6 =	vadd.f32 v8, v6;
	v0 =	vadd.f32 v11, v0  }
0x41: {  	v1 =	vadd.f32 v14, v1;
	v2 =	vadd.f32 v7, v2;
	v7 =	vld [tilespmem:s19+$0xFFFFFC00]  }
0x42: {  	v8 =	vld [tilespmem:s22+$0x4000];
	v0 =	vadd.f32 v13, v0;
	v3 =	vadd.f32 v3, v6  }
0x43: {  	v1 =	vadd.f32 v16, v1;
	v6 =	vld [tilespmem:s19+$0xFFFFFE00];
	v2 =	vadd.f32 v58, v2  }
0x44: {  	v60 =	vld [tilespmem:s22+$0x4200];
	v0 =	vadd.f32 v15, v0;
	v3 =	vadd.f32 v5, v3  }
0x45: {  	v1 =	vadd.f32 v18, v1;
	v5 =	vld [tilespmem:s19+$0x0];
	v2 =	vadd.f32 v59, v2  }
0x46: {  	v61 =	vld [tilespmem:s22+$0x4400];
	v0 =	vadd.f32 v17, v0;
	v3 =	vadd.f32 v7, v3  }
0x47: {  	v1 =	vadd.f32 v20, v1;
	v7 =	vld [tilespmem:s19+$0x200];
	v2 =	vadd.f32 v8, v2  }
0x48: {  	v8 =	vld [tilespmem:s22+$0x4600];
	v0 =	vadd.f32 v19, v0;
	v3 =	vadd.f32 v6, v3  }
0x49: {  	v1 =	vadd.f32 v22, v1;
	v6 =	vld [tilespmem:s19+$0x400];
	v2 =	vadd.f32 v60, v2  }
0x4a: {  	v62 =	vld [tilespmem:s22+$0x4800];
	v0 =	vadd.f32 v21, v0;
	v3 =	vadd.f32 v5, v3  }
0x4b: {  	v1 =	vadd.f32 v24, v1;
	v5 =	vadd.f32 v61, v2;
	v2 =	vld [tilespmem:s19+$0x600]  }
0x4c: {  	v63 =	vadd.f32 v23, v0;
	v0 =	vld [tilespmem:s22+$0x4A00];
	v7 =	vadd.f32 v7, v3  }
0x4d: {  	s21 =	simm.s32 $0x6810;
	v4 =	vadd.f32 v4, v1;
	v3 =	vld [tilespmem:s19+$0x800];
	v5 =	vadd.f32 v8, v5  }
0x4e: {  	v1 =	vld [tilespmem:s22+$0x4C00];
	[tilespmem:s21+$0xFFFFFFF0] =	vst v63;
	v6 =	vadd.f32 v6, v7  }
0x4f: {  	[tilespmem:s21+$0x0] =	vst v4;
	v4 =	vld [tilespmem:s19+$0xA00];
	v5 =	vadd.f32 v62, v5  }
.LBB2_2:
0x50: {  	s20 =	sadd.s32 $0x20, s20;
	v2 =	vadd.f32 v2, v6;
	v6 =	vld [tilespmem:s19+$0xC00];
	s19 =	sadd.s32 $0x20, s19  }
0x51: {  	v7 =	vld [tilespmem:s19+$0xFFFFF3F0];
	s22 =	sand.u32 $0x1E0, s20;
	p0 =	slt.u32 s20, $0x1E0;
	v0 =	vadd.f32 v0, v5  }
0x52: {  	v5 =	vld [tilespmem:s22+$0x3600];
	v2 =	vadd.f32 v3, v2  }
0x53: {  	v3 =	vld [tilespmem:s19+$0xFFFFF400];
	v0 =	vadd.f32 v1, v0  }
0x54: {  	s21 =	sadd.s32 $0x20, s21;
	v1 =	vld [tilespmem:s22+$0x3800];
	v2 =	vadd.f32 v4, v2  }
0x55: {  	v4 =	vld [tilespmem:s19+$0xFFFFF600];
	[tilespmem:s21+$0xFFFFFFF0] =	vst v0  }
0x56: {  	v0 =	vld [tilespmem:s22+$0x3A00];
	v2 =	vadd.f32 v6, v2  }
0x57: {  	v5 =	vadd.f32 v5, v7;
	v6 =	vld [tilespmem:s19+$0xFFFFF800]  }
0x58: {  	v7 =	vld [tilespmem:s22+$0x3C00];
	[tilespmem:s21+$0x0] =	vst v2  }
0x59: {  	v1 =	vadd.f32 v1, v5;
	v2 =	vld [tilespmem:s19+$0xFFFFFA00]  }
0x5a: {  	v5 =	vld [tilespmem:s22+$0x3E00];
	v3 =	vadd.f32 v4, v3  }
0x5b: {  	v0 =	vadd.f32 v0, v1;
	v1 =	vld [tilespmem:s19+$0xFFFFFC00]  }
0x5c: {  	v4 =	vld [tilespmem:s22+$0x4000];
	v3 =	vadd.f32 v6, v3  }
0x5d: {  	v0 =	vadd.f32 v7, v0;
	v6 =	vld [tilespmem:s19+$0xFFFFFE00]  }
0x5e: {  	v7 =	vld [tilespmem:s22+$0x4200];
	v2 =	vadd.f32 v2, v3  }
0x5f: {  	v0 =	vadd.f32 v5, v0;
	v3 =	vld [tilespmem:s19+$0x0]  }
0x60: {  	v5 =	vld [tilespmem:s22+$0x4400];
	v1 =	vadd.f32 v1, v2  }
0x61: {  	v0 =	vadd.f32 v4, v0;
	v4 =	vld [tilespmem:s19+$0x200]  }
0x62: {  	v8 =	vld [tilespmem:s22+$0x4600];
	v1 =	vadd.f32 v6, v1  }
0x63: {  	v0 =	vadd.f32 v7, v0;
	v6 =	vld [tilespmem:s19+$0x400]  }
0x64: {  	v7 =	vld [tilespmem:s22+$0x4800];
	v1 =	vadd.f32 v3, v1  }
.Ltmp0:
0x65: {  	v3 =	vadd.f32 v5, v0;
	v2 =	vld [tilespmem:s19+$0x600];
	(pc) =	sbr.rel @p0 .LBB2_2-.Ltmp0, $4  }
0x66: {  	v0 =	vld [tilespmem:s22+$0x4A00];
	v4 =	vadd.f32 v4, v1  }
0x67: {  	v5 =	vadd.f32 v8, v3;
	v3 =	vld [tilespmem:s19+$0x800]  }
0x68: {  	v1 =	vld [tilespmem:s22+$0x4C00];
	v6 =	vadd.f32 v6, v4  }
0x69: {  	v5 =	vadd.f32 v7, v5;
	v4 =	vld [tilespmem:s19+$0xA00]  }
0x6a: {  	v2 =	vadd.f32 v2, v6  }
0x6b: {  	v6 =	vld [tilespmem:s19+$0xC00]  }
0x6c: {  	v2 =	vadd.f32 v3, v2  }
0x6d: {  	v0 =	vadd.f32 v0, v5  }
0x6e: {  	v2 =	vadd.f32 v4, v2  }
0x6f: {  	v0 =	vadd.f32 v1, v0  }
0x70: {  	s30 =	sadd.s32 $0x20, s21;
	v1 =	vadd.f32 v6, v2  }
0x71: {  	[tilespmem:s30+$0xFFFFFFF0] =	vst v0  }
0x72: {  	[tilespmem:s30+$0x0] =	vst v1  }
0x73: {  	_ =	swait.ge [sflag:s15], $0x1A00  }
0x74: {  	[sflag:s15] =	ssyncset.done $0x0  }
0x75: {  	s31 =	simm.s32 $0x6610;
	[sflag:s15] =	ssyncadd.s32 $0xFFFFE600  }
0x76: {  	s19 =	simm.s32 $0x6810;
	s20 =	simm.s32 $0x0;
	v0 =	vld [tilespmem:s31+$0xFFFFE800]  }
0x77: {  	s22 =	sand.u32 $0x1E0, s20;
	v1 =	vld [tilespmem:s19+$0xFFFFFFF0]  }
0x78: {  	v2 =	vld [tilespmem:s22+$0x4E00]  }
0x79: {  	v3 =	vld [tilespmem:s19+$0x0]  }
0x7a: {  	v4 =	vld [tilespmem:s22+$0x5000]  }
0x7b: {  	v5 =	vld [tilespmem:s31+$0xFFFFEA00]  }
0x7c: {  	v6 =	vld [tilespmem:s22+$0x5200]  }
0x7d: {  	v1 =	vadd.f32 v2, v1;
	v2 =	vld [tilespmem:s31+$0xFFFFEC00]  }
0x7e: {  	v7 =	vld [tilespmem:s22+$0x5400];
	v0 =	vadd.f32 v0, v3  }
0x7f: {  	v3 =	vld [tilespmem:s31+$0xFFFFEE00];
	v1 =	vadd.f32 v4, v1  }
0x80: {  	v4 =	vld [tilespmem:s22+$0x5600];
	v0 =	vadd.f32 v5, v0  }
0x81: {  	v5 =	vld [tilespmem:s31+$0xFFFFF000];
	v1 =	vadd.f32 v6, v1  }
0x82: {  	v6 =	vld [tilespmem:s22+$0x5800];
	v0 =	vadd.f32 v2, v0  }
0x83: {  	v2 =	vld [tilespmem:s31+$0xFFFFF200];
	v1 =	vadd.f32 v7, v1  }
0x84: {  	v7 =	vld [tilespmem:s22+$0x5A00];
	v0 =	vadd.f32 v3, v0  }
0x85: {  	v3 =	vld [tilespmem:s31+$0xFFFFF400];
	v1 =	vadd.f32 v4, v1  }
0x86: {  	v4 =	vld [tilespmem:s22+$0x5C00];
	v0 =	vadd.f32 v5, v0  }
0x87: {  	v5 =	vld [tilespmem:s31+$0xFFFFF600];
	v1 =	vadd.f32 v6, v1  }
0x88: {  	v6 =	vld [tilespmem:s22+$0x5E00];
	v0 =	vadd.f32 v2, v0  }
0x89: {  	v2 =	vld [tilespmem:s31+$0xFFFFF800];
	v1 =	vadd.f32 v7, v1  }
0x8a: {  	v7 =	vld [tilespmem:s22+$0x6000];
	v0 =	vadd.f32 v3, v0  }
0x8b: {  	v1 =	vadd.f32 v4, v1;
	v4 =	vld [tilespmem:s31+$0xFFFFFA00]  }
0x8c: {  	v8 =	vld [tilespmem:s22+$0x6200];
	v5 =	vadd.f32 v5, v0  }
0x8d: {  	v3 =	vld [tilespmem:s31+$0xFFFFFC00];
	v1 =	vadd.f32 v6, v1  }
0x8e: {  	v0 =	vld [tilespmem:s22+$0x6400];
	v5 =	vadd.f32 v2, v5  }
0x8f: {  	v2 =	vld [tilespmem:s31+$0xFFFFFE00];
	v7 =	vadd.f32 v7, v1  }
0x90: {  	v1 =	vld [tilespmem:s22+$0x6600];
	v6 =	vadd.f32 v4, v5  }
0x91: {  	s21 =	simm.s32 $0x6810;
	s22 =	simm.s32 $0x6630;
	v4 =	vld [tilespmem:s31+$0x0];
	v5 =	vadd.f32 v8, v7  }
.LBB2_4:
0x92: {  	s20 =	sadd.s32 $0x20, s20;
	v7 =	vld [tilespmem:s22+$0xFFFFE800];
	v3 =	vadd.f32 v3, v6;
	s19 =	sadd.s32 $0x20, s19  }
0x93: {  	v6 =	vld [tilespmem:s19+$0xFFFFFFF0];
	s23 =	sand.u32 $0x1E0, s20;
	p0 =	slt.u32 s20, $0x1E0;
	v0 =	vadd.f32 v0, v5  }
0x94: {  	v5 =	vld [tilespmem:s23+$0x4E00];
	v2 =	vadd.f32 v2, v3  }
0x95: {  	v3 =	vld [tilespmem:s19+$0x0];
	v0 =	vadd.f32 v1, v0  }
0x96: {  	v1 =	vld [tilespmem:s23+$0x5000];
	v2 =	vadd.f32 v4, v2  }
0x97: {  	v4 =	vld [tilespmem:s22+$0xFFFFEA00];
	[tilespmem:s21+$0xFFFFFFF0] =	vst v0  }
0x98: {  	v0 =	vld [tilespmem:s23+$0x5200];
	[tilespmem:s21+$0x0] =	vst v2;
	s21 =	smov.u32 s19  }
0x99: {  	v2 =	vadd.f32 v5, v6;
	v5 =	vld [tilespmem:s22+$0xFFFFEC00]  }
0x9a: {  	v6 =	vld [tilespmem:s23+$0x5400];
	v3 =	vadd.f32 v7, v3  }
0x9b: {  	v1 =	vadd.f32 v1, v2;
	v2 =	vld [tilespmem:s22+$0xFFFFEE00]  }
0x9c: {  	v7 =	vld [tilespmem:s23+$0x5600];
	v3 =	vadd.f32 v4, v3  }
0x9d: {  	v0 =	vadd.f32 v0, v1;
	v1 =	vld [tilespmem:s22+$0xFFFFF000]  }
0x9e: {  	v4 =	vld [tilespmem:s23+$0x5800];
	v3 =	vadd.f32 v5, v3  }
0x9f: {  	v0 =	vadd.f32 v6, v0;
	v5 =	vld [tilespmem:s22+$0xFFFFF200]  }
0xa0: {  	v6 =	vld [tilespmem:s23+$0x5A00];
	v2 =	vadd.f32 v2, v3  }
0xa1: {  	v0 =	vadd.f32 v7, v0;
	v3 =	vld [tilespmem:s22+$0xFFFFF400]  }
0xa2: {  	v7 =	vld [tilespmem:s23+$0x5C00];
	v1 =	vadd.f32 v1, v2  }
0xa3: {  	v0 =	vadd.f32 v4, v0;
	v2 =	vld [tilespmem:s22+$0xFFFFF600]  }
0xa4: {  	v4 =	vld [tilespmem:s23+$0x5E00];
	v1 =	vadd.f32 v5, v1  }
0xa5: {  	v0 =	vadd.f32 v6, v0;
	v5 =	vld [tilespmem:s22+$0xFFFFF800]  }
0xa6: {  	v6 =	vld [tilespmem:s23+$0x6000];
	v1 =	vadd.f32 v3, v1  }
0xa7: {  	v0 =	vadd.f32 v7, v0;
	v7 =	vld [tilespmem:s22+$0xFFFFFA00]  }
0xa8: {  	v8 =	vld [tilespmem:s23+$0x6200];
	v1 =	vadd.f32 v2, v1  }
.Ltmp1:
0xa9: {  	v2 =	vadd.f32 v4, v0;
	v3 =	vld [tilespmem:s22+$0xFFFFFC00];
	(pc) =	sbr.rel @p0 .LBB2_4-.Ltmp1, $4  }
0xaa: {  	v0 =	vld [tilespmem:s23+$0x6400];
	v4 =	vadd.f32 v5, v1  }
0xab: {  	v5 =	vadd.f32 v6, v2;
	v2 =	vld [tilespmem:s22+$0xFFFFFE00]  }
0xac: {  	v1 =	vld [tilespmem:s23+$0x6600];
	v6 =	vadd.f32 v7, v4  }
0xad: {  	v5 =	vadd.f32 v8, v5;
	v4 =	vld [tilespmem:s22+$0x0];
	s22 =	sadd.s32 $0x20, s22  }
0xae: {  	v3 =	vadd.f32 v3, v6  }
0xaf: {  	v0 =	vadd.f32 v0, v5  }
0xb0: {  	v2 =	vadd.f32 v2, v3  }
0xb1: {  	v0 =	vadd.f32 v1, v0  }
0xb2: {  	s18 =	sadd.s32 $0x1, s18;
	v63 =	vadd.f32 v4, v2  }
0xb3: {  	p0 =	sne.s32 s18, s7;
	[tilespmem:s21+$0xFFFFFFF0] =	vst v0  }
.Ltmp2:
0xb4: {  	[tilespmem:s21+$0x0] =	vst v63;
	(pc) =	sbr.rel @p0 .LBB2_1-.Ltmp2, $4  }
0xb5: {  	[hbm4b:s6+s3] =	stream.linear.scatter [tilespmem:s16], [sflag:$0x4], $0x200, $0x38;
	[tilespmem:$0x6A00] =	vst v63  }
0xb6: {  	_ =	swait.ge [sflag:s17], $0x200  }
0xb7: {  	[sflag:s17] =	ssyncset.done $0x0  }
0xb8: {  	[sflag:s17] =	ssyncadd.s32 $0xFFFFFE00  }
0xb9: {  	_ =	sfence.sel $0x180000  }
0xba: {  	[bflag:$0x0] =	sbarrier.arrive $0xFFFF  }
0xbb: {  	p0 =	sne.s32 s0, $0x0;
	_ =	strace $0x90000047  }
0xbc: {  	s0 =	sadd.s32 @!p0 $0x100000, s1;
	[bflag:$0x2] =	sbarrier.arrive $0xFFFF  }
0xbd: {  	[sflag:s0] =	ssyncadd.tile.s32 @!p0 $0x1;
	_ =	shalt  }
.Lfunc_end2:
_tile_overlayer_lowered:
.L_overlay_start_2:
0xbe: {  	(tag) =	ssettag $0x2  }
0xbf: {  	s0 =	rddreg [dreg:$0x0];
	s2 =	stileid.u32  }
0xc0: {  	s1 =	rddreg [dreg:$0x1];
	p0 =	sne.s32 s2, $0x0  }
0xc1: {  	s3 =	rddreg [dreg:$0x2];
	[bflag:$0x3] =	sbarrier.arrive $0xFFFF;
	s2 =	simm.s32 @!p0 $0x1C04  }
0xc2: {  	[timem:s3], [sflag:s2] =	dma.local @!p0 [hbm:s0], s1  }
0xc3: {  	s0 =	simm.s32 @!p0 $0x4  }
0xc4: {  	_ =	swait.ge @!p0 [sflag:s0], s1  }
0xc5: {  	s1 =	ssub.s32 @!p0 $0x0, s1;
	[sflag:s0] =	ssyncset.done @!p0 $0x0  }
0xc6: {  	[sflag:s0] =	ssyncadd.s32 @!p0 s1  }
0xc7: {  	[bflag:$0x3] =	sbarrier.arrive $0xFFFF  }
0xc8: {  	_ =	shalt  }

</sc_bundles>
